<compile_context>
chip_gen: v7x
topology: tpu7x:2x2x1
jax: 0.10.2.dev20260603
libtpu: 0.0.44.dev20260713+nightly
codegen_flags: <defaults>
</compile_context>

<pallas_src>
import functools

import jax
import jax.numpy as jnp
from jax import lax
from jax.experimental import pallas as pl
from jax.experimental.pallas import tpu as pltpu
from jax.experimental.pallas import tpu_sc as plsc


def _sc_gather(pe_table, idx, S, D):
    info = plsc.get_sparse_core_info()
    NC, NS = info.num_cores, info.num_subcores
    NW = NC * NS
    b_per_w = S // NW
    CH = min(b_per_w, 64)
    n_ch = b_per_w // CH

    @functools.partial(
        pl.kernel,
        out_type=jax.ShapeDtypeStruct((S, D), jnp.float32),
        mesh=plsc.VectorSubcoreMesh(core_axis_name="c", subcore_axis_name="s"),
        scratch_types=[
            pltpu.VMEM((CH,), jnp.int32),
            pltpu.VMEM((CH, D), jnp.float32),
            pltpu.SemaphoreType.DMA,
        ],
    )
    def gather_kernel(idx_hbm, table_hbm, out_hbm, idx_v, rows_v, sem):
        wid = lax.axis_index("s") * NC + lax.axis_index("c")
        base = wid * b_per_w
        for j in range(n_ch):
            off = base + j * CH
            pltpu.sync_copy(idx_hbm.at[pl.ds(off, CH)], idx_v)
            pltpu.async_copy(table_hbm.at[idx_v], rows_v, sem).wait()
            pltpu.sync_copy(rows_v, out_hbm.at[pl.ds(off, CH)])

    return gather_kernel(idx, pe_table)


def _pe_add_kernel(x_ref, pe_ref, o_ref):
    o_ref[...] = x_ref[...] + pe_ref[None]


def kernel(x, pe_table, positions):
    B, S, F = x.shape
    BS = 2048

    idx = positions[:S].astype(jnp.int32)
    pe_g = _sc_gather(pe_table, idx, S, F)

    return pl.pallas_call(
        _pe_add_kernel,
        grid=(S // BS, B),
        in_specs=[
            pl.BlockSpec((1, BS, F), lambda i, b: (b, i, 0)),
            pl.BlockSpec((BS, F), lambda i, b: (i, 0)),
        ],
        out_specs=pl.BlockSpec((1, BS, F), lambda i, b: (b, i, 0)),
        out_shape=jax.ShapeDtypeStruct(x.shape, x.dtype),
        compiler_params=pltpu.CompilerParams(
            dimension_semantics=("parallel", "parallel"),
        ),
    )(x, pe_g)

# --- scband reference (transcript-rebuilt; emitter-appended) ---
"""Pipeline reference for scband-positional-embedding-85229331022202 (READ-ONLY COPY).

The authoritative reference and input builder live on the scoring server;
editing this copy changes nothing except your own understanding.
"""

import jax, jax.numpy as jnp
import numpy as np

MAX_SEQ_LEN = 8192
FEATURES = 1024

def setup_inputs(seed: int = 0) -> dict:
    key = jax.random.key(seed)
    k1, k2 = jax.random.split(key)
    x = jax.random.normal(k1, (4, 4096, 1024), dtype=jnp.float32)
    pe_table = jax.random.normal(k2, (MAX_SEQ_LEN, FEATURES), dtype=jnp.float32) * 0.02
    positions = jnp.arange(MAX_SEQ_LEN, dtype=jnp.int64)
    return {"x": x, "pe_table": pe_table, "positions": positions}

def reference(x, pe_table, positions):
    # pe(positions): embedding lookup -> [max_seq_len, features]
    pe = jnp.take(pe_table, positions, axis=0)
    # [None, 0:S] -> add leading axis, slice first real dim to seq_len
    S = x.shape[1]
    pe_sliced = pe[None, 0:S]  # [1, S, features]
    return x + pe_sliced

if __name__ == "__main__":
    import jax
    _d = setup_inputs()
    print(jax.jit(kernel)(*tuple(_d.values())))

</pallas_src>

<mosaic_0001>
#map = affine_map<(d0, d1) -> (0)>
#map1 = affine_map<(d0, d1) -> (0, 0)>
module attributes {stable_mosaic.version = 14 : i64} {
  func.func @gather_kernel(%arg0: i32, %arg1: i32, %arg2: memref<4096xi32, #tpu.memory_space<hbm>>, %arg3: memref<8192x1024xf32, #tpu.memory_space<hbm>>, %arg4: memref<4096x1024xf32, #tpu.memory_space<hbm>>, %arg5: memref<64xi32, #tpu.memory_space<vmem>>, %arg6: memref<64x1024xf32, #tpu.memory_space<vmem>>, %arg7: memref<!tpu.dma_semaphore, #tpu.memory_space<semaphore_mem>>) attributes {dimension_semantics = [#tpu.dimension_semantics<core_parallel>, #tpu.dimension_semantics<subcore_parallel>], iteration_bounds = array<i64: 2, 16>, scalar_prefetch = 0 : i64, scratch_operands = 3 : i64, tpu.core_type = #tpu.core_type<sc_vector_subcore>, window_params = [{transform_indices = #map}, {transform_indices = #map1}, {transform_indices = #map1}]} {
    %mul3A = arith.constant 2 : i32
    %mul3A_0 = arith.muli %arg1, %mul3A : i32
    %add3A = arith.addi %mul3A_0, %arg0 : i32
    %mul3A_1 = arith.constant 128 : i32
    %mul3A_2 = arith.muli %add3A, %mul3A_1 : i32
    %add3A_3 = arith.constant 0 : i32
    %add3A_4 = arith.addi %mul3A_2, %add3A_3 : i32
    "tpu.region"() ({
      %run_scoped3A = tpu.sem_alloc : memref<!tpu.dma_semaphore, #tpu.memory_space<semaphore_mem>>
      %dma_start3A_17 = tpu.memref_slice %arg2[%add3A_4] : memref<4096xi32, #tpu.memory_space<hbm>> -> memref<64xi32, #tpu.memory_space<hbm>>
      %dma_start3A_18 = tpu.memref_slice %arg2[%add3A_4] : memref<4096xi32, #tpu.memory_space<hbm>> -> memref<64xi32, #tpu.memory_space<hbm>>
      tpu.enqueue_dma source(%dma_start3A_18 : memref<64xi32, #tpu.memory_space<hbm>>) target(%arg5 : memref<64xi32, #tpu.memory_space<vmem>>) target_semaphore(%run_scoped3A : memref<!tpu.dma_semaphore, #tpu.memory_space<semaphore_mem>>)
      %dma_wait3A_19 = tpu.memref_slice %arg2[%add3A_4] : memref<4096xi32, #tpu.memory_space<hbm>> -> memref<64xi32, #tpu.memory_space<hbm>>
      %dma_wait3A_20 = tpu.memref_slice %arg2[%add3A_4] : memref<4096xi32, #tpu.memory_space<hbm>> -> memref<64xi32, #tpu.memory_space<hbm>>
      tpu.wait_dma2 semaphore(%run_scoped3A : memref<!tpu.dma_semaphore, #tpu.memory_space<semaphore_mem>>) src(%dma_wait3A_20 : memref<64xi32, #tpu.memory_space<hbm>>) dst(%arg5 : memref<64xi32, #tpu.memory_space<vmem>>)
      tpu.yield
    }) : () -> ()
    %dma_start3A = arith.constant 0 : i32
    %dma_start3A_5 = arith.constant 0 : i32
    %dma_start3A_6 = tpu.memref_slice %arg3[%dma_start3A, %dma_start3A_5] : memref<8192x1024xf32, #tpu.memory_space<hbm>> -> memref<8192x1024xf32, #tpu.memory_space<hbm>>
    tpu.enqueue_indirect_dma source(%dma_start3A_6 : memref<8192x1024xf32, #tpu.memory_space<hbm>>) target(%arg6 : memref<64x1024xf32, #tpu.memory_space<vmem>>) offsets(%arg5 : memref<64xi32, #tpu.memory_space<vmem>>) semaphore(%arg7 : memref<!tpu.dma_semaphore, #tpu.memory_space<semaphore_mem>>)
    %dma_wait3A = arith.constant 0 : i32
    %dma_wait3A_7 = arith.constant 0 : i32
    %dma_wait3A_8 = tpu.memref_slice %arg3[%dma_wait3A, %dma_wait3A_7] : memref<8192x1024xf32, #tpu.memory_space<hbm>> -> memref<8192x1024xf32, #tpu.memory_space<hbm>>
    tpu.wait_indirect_dma semaphore(%arg7 : memref<!tpu.dma_semaphore, #tpu.memory_space<semaphore_mem>>) src(%dma_wait3A_8 : memref<8192x1024xf32, #tpu.memory_space<hbm>>) dst(%arg6 : memref<64x1024xf32, #tpu.memory_space<vmem>>)
    "tpu.region"() ({
      %run_scoped3A = tpu.sem_alloc : memref<!tpu.dma_semaphore, #tpu.memory_space<semaphore_mem>>
      %dma_start3A_17 = arith.constant 0 : i32
      %dma_start3A_18 = tpu.memref_slice %arg4[%add3A_4, %dma_start3A_17] : memref<4096x1024xf32, #tpu.memory_space<hbm>> -> memref<64x1024xf32, #tpu.memory_space<hbm>>
      %dma_start3A_19 = arith.constant 0 : i32
      %dma_start3A_20 = tpu.memref_slice %arg4[%add3A_4, %dma_start3A_19] : memref<4096x1024xf32, #tpu.memory_space<hbm>> -> memref<64x1024xf32, #tpu.memory_space<hbm>>
      tpu.enqueue_dma source(%arg6 : memref<64x1024xf32, #tpu.memory_space<vmem>>) target(%dma_start3A_20 : memref<64x1024xf32, #tpu.memory_space<hbm>>) target_semaphore(%run_scoped3A : memref<!tpu.dma_semaphore, #tpu.memory_space<semaphore_mem>>)
      %dma_wait3A_21 = arith.constant 0 : i32
      %dma_wait3A_22 = tpu.memref_slice %arg4[%add3A_4, %dma_wait3A_21] : memref<4096x1024xf32, #tpu.memory_space<hbm>> -> memref<64x1024xf32, #tpu.memory_space<hbm>>
      %dma_wait3A_23 = arith.constant 0 : i32
      %dma_wait3A_24 = tpu.memref_slice %arg4[%add3A_4, %dma_wait3A_23] : memref<4096x1024xf32, #tpu.memory_space<hbm>> -> memref<64x1024xf32, #tpu.memory_space<hbm>>
      tpu.wait_dma2 semaphore(%run_scoped3A : memref<!tpu.dma_semaphore, #tpu.memory_space<semaphore_mem>>) src(%arg6 : memref<64x1024xf32, #tpu.memory_space<vmem>>) dst(%dma_wait3A_24 : memref<64x1024xf32, #tpu.memory_space<hbm>>)
      tpu.yield
    }) : () -> ()
    %add3A_9 = arith.constant 64 : i32
    %add3A_10 = arith.addi %mul3A_2, %add3A_9 : i32
    "tpu.region"() ({
      %run_scoped3A = tpu.sem_alloc : memref<!tpu.dma_semaphore, #tpu.memory_space<semaphore_mem>>
      %dma_start3A_17 = tpu.memref_slice %arg2[%add3A_10] : memref<4096xi32, #tpu.memory_space<hbm>> -> memref<64xi32, #tpu.memory_space<hbm>>
      %dma_start3A_18 = tpu.memref_slice %arg2[%add3A_10] : memref<4096xi32, #tpu.memory_space<hbm>> -> memref<64xi32, #tpu.memory_space<hbm>>
      tpu.enqueue_dma source(%dma_start3A_18 : memref<64xi32, #tpu.memory_space<hbm>>) target(%arg5 : memref<64xi32, #tpu.memory_space<vmem>>) target_semaphore(%run_scoped3A : memref<!tpu.dma_semaphore, #tpu.memory_space<semaphore_mem>>)
      %dma_wait3A_19 = tpu.memref_slice %arg2[%add3A_10] : memref<4096xi32, #tpu.memory_space<hbm>> -> memref<64xi32, #tpu.memory_space<hbm>>
      %dma_wait3A_20 = tpu.memref_slice %arg2[%add3A_10] : memref<4096xi32, #tpu.memory_space<hbm>> -> memref<64xi32, #tpu.memory_space<hbm>>
      tpu.wait_dma2 semaphore(%run_scoped3A : memref<!tpu.dma_semaphore, #tpu.memory_space<semaphore_mem>>) src(%dma_wait3A_20 : memref<64xi32, #tpu.memory_space<hbm>>) dst(%arg5 : memref<64xi32, #tpu.memory_space<vmem>>)
      tpu.yield
    }) : () -> ()
    %dma_start3A_11 = arith.constant 0 : i32
    %dma_start3A_12 = arith.constant 0 : i32
    %dma_start3A_13 = tpu.memref_slice %arg3[%dma_start3A_11, %dma_start3A_12] : memref<8192x1024xf32, #tpu.memory_space<hbm>> -> memref<8192x1024xf32, #tpu.memory_space<hbm>>
    tpu.enqueue_indirect_dma source(%dma_start3A_13 : memref<8192x1024xf32, #tpu.memory_space<hbm>>) target(%arg6 : memref<64x1024xf32, #tpu.memory_space<vmem>>) offsets(%arg5 : memref<64xi32, #tpu.memory_space<vmem>>) semaphore(%arg7 : memref<!tpu.dma_semaphore, #tpu.memory_space<semaphore_mem>>)
    %dma_wait3A_14 = arith.constant 0 : i32
    %dma_wait3A_15 = arith.constant 0 : i32
    %dma_wait3A_16 = tpu.memref_slice %arg3[%dma_wait3A_14, %dma_wait3A_15] : memref<8192x1024xf32, #tpu.memory_space<hbm>> -> memref<8192x1024xf32, #tpu.memory_space<hbm>>
    tpu.wait_indirect_dma semaphore(%arg7 : memref<!tpu.dma_semaphore, #tpu.memory_space<semaphore_mem>>) src(%dma_wait3A_16 : memref<8192x1024xf32, #tpu.memory_space<hbm>>) dst(%arg6 : memref<64x1024xf32, #tpu.memory_space<vmem>>)
    "tpu.region"() ({
      %run_scoped3A = tpu.sem_alloc : memref<!tpu.dma_semaphore, #tpu.memory_space<semaphore_mem>>
      %dma_start3A_17 = arith.constant 0 : i32
      %dma_start3A_18 = tpu.memref_slice %arg4[%add3A_10, %dma_start3A_17] : memref<4096x1024xf32, #tpu.memory_space<hbm>> -> memref<64x1024xf32, #tpu.memory_space<hbm>>
      %dma_start3A_19 = arith.constant 0 : i32
      %dma_start3A_20 = tpu.memref_slice %arg4[%add3A_10, %dma_start3A_19] : memref<4096x1024xf32, #tpu.memory_space<hbm>> -> memref<64x1024xf32, #tpu.memory_space<hbm>>
      tpu.enqueue_dma source(%arg6 : memref<64x1024xf32, #tpu.memory_space<vmem>>) target(%dma_start3A_20 : memref<64x1024xf32, #tpu.memory_space<hbm>>) target_semaphore(%run_scoped3A : memref<!tpu.dma_semaphore, #tpu.memory_space<semaphore_mem>>)
      %dma_wait3A_21 = arith.constant 0 : i32
      %dma_wait3A_22 = tpu.memref_slice %arg4[%add3A_10, %dma_wait3A_21] : memref<4096x1024xf32, #tpu.memory_space<hbm>> -> memref<64x1024xf32, #tpu.memory_space<hbm>>
      %dma_wait3A_23 = arith.constant 0 : i32
      %dma_wait3A_24 = tpu.memref_slice %arg4[%add3A_10, %dma_wait3A_23] : memref<4096x1024xf32, #tpu.memory_space<hbm>> -> memref<64x1024xf32, #tpu.memory_space<hbm>>
      tpu.wait_dma2 semaphore(%run_scoped3A : memref<!tpu.dma_semaphore, #tpu.memory_space<semaphore_mem>>) src(%arg6 : memref<64x1024xf32, #tpu.memory_space<vmem>>) dst(%dma_wait3A_24 : memref<64x1024xf32, #tpu.memory_space<hbm>>)
      tpu.yield
    }) : () -> ()
    return
  }
}

module attributes {stable_mosaic.version = 14 : i64} {
  func.func @_pe_add_kernel(%arg0: i32, %arg1: i32, %arg2: memref<1x2048x1024xf32, #tpu.memory_space<vmem>>, %arg3: memref<2048x1024xf32, #tpu.memory_space<vmem>>, %arg4: memref<1x2048x1024xf32, #tpu.memory_space<vmem>>) attributes {dimension_semantics = [#tpu.dimension_semantics<parallel>, #tpu.dimension_semantics<parallel>], iteration_bounds = array<i64: 2, 4>, scalar_prefetch = 0 : i64, scratch_operands = 0 : i64, tpu.core_type = #tpu.core_type<tc>, window_params = [{transform_indices = @transform_0, window_bounds = array<i64: 1, 2048, 1024>}, {transform_indices = @transform_1, window_bounds = array<i64: 2048, 1024>}, {transform_indices = @transform_2, window_bounds = array<i64: 1, 2048, 1024>}]} {
    %get3A = arith.constant 0 : index
    %get3A_0 = arith.constant 0 : index
    %get3A_1 = arith.constant 0 : index
    %get3A_2 = vector.load %arg2[%get3A, %get3A_0, %get3A_1] : memref<1x2048x1024xf32, #tpu.memory_space<vmem>>, vector<1x2048x1024xf32>
    %get3A_3 = arith.constant 0 : index
    %get3A_4 = arith.constant 0 : index
    %get3A_5 = vector.load %arg3[%get3A_3, %get3A_4] : memref<2048x1024xf32, #tpu.memory_space<vmem>>, vector<2048x1024xf32>
    %broadcast_in_dim3A = vector.shape_cast %get3A_5 : vector<2048x1024xf32> to vector<1x2048x1024xf32>
    %add3A = arith.addf %get3A_2, %broadcast_in_dim3A : vector<1x2048x1024xf32>
    %swap3A = arith.constant 0 : index
    %swap3A_6 = arith.constant 0 : index
    %swap3A_7 = arith.constant 0 : index
    %swap3A_8 = vector.load %arg4[%swap3A, %swap3A_6, %swap3A_7] : memref<1x2048x1024xf32, #tpu.memory_space<vmem>>, vector<1x2048x1024xf32>
    tpu.vector_store %arg4[%swap3A, %swap3A_6, %swap3A_7], %add3A {strides = array<i32>} : memref<1x2048x1024xf32, #tpu.memory_space<vmem>>, vector<1x2048x1024xf32>,
    return
  }
  func.func @transform_0(%arg0: i32, %arg1: i32) -> (i32, i32, i32) {
    %c0_i32 = arith.constant 0 : i32
    %c0_i32_0 = arith.constant 0 : i32
    return %arg1, %arg0, %c0_i32 : i32, i32, i32
  }
  func.func @transform_1(%arg0: i32, %arg1: i32) -> (i32, i32) {
    %c0_i32 = arith.constant 0 : i32
    %c0_i32_0 = arith.constant 0 : i32
    return %arg0, %c0_i32 : i32, i32
  }
  func.func @transform_2(%arg0: i32, %arg1: i32) -> (i32, i32, i32) {
    %c0_i32 = arith.constant 0 : i32
    %c0_i32_0 = arith.constant 0 : i32
    return %arg1, %arg0, %c0_i32 : i32, i32, i32
  }
}

</mosaic_0001>

<sc_bundles>
// kernel: kernel.4.cloned.1.call-start
scs
__scs_entry_jumppad:
0x0: {  	(pc) =	sbr.rel $0x88, $3  }
0x1: {  	(tag) =	ssettag $0x0;
	lr =	simm.s32 $0x1  }
0x2: {  	[smem:$0x3F9E] =	sst lr;
	_ =	strace $0xD0000000  }
0x3: {  	_ = 	snop  }
0x4: {  	_ = 	snop  }
0x5: {  	_ = 	snop  }
0x6: {  	_ = 	snop  }
0x7: {  	_ = 	snop  }
__scs_overlays_trampoline_lowered:
0x8: {  	[smem:$0x3FAD] =	sst s0  }
0x9: {  	[smem:$0x3FAE] =	sst s1  }
0xa: {  	[smem:$0x3FAF] =	sst s2  }
0xb: {  	[smem:$0x3FB0] =	sst s3  }
0xc: {  	[smem:$0x3FB1] =	sst s4  }
0xd: {  	[smem:$0x3FB2] =	sst s5  }
0xe: {  	[smem:$0x3FB3] =	sst s6  }
0xf: {  	[smem:$0x3FB4] =	sst s7  }
0x10: {  	[smem:$0x3FB5] =	sst s8  }
0x11: {  	[smem:$0x3FB6] =	sst s9;
	s0 =	simm.s32 @!p0 $0x0  }
0x12: {  	s1 =	sld [smem:$0x3F9C];
	s0 =	simm.s32 @p0 $0x1  }
0x13: {  	[smem:$0x3FB7] =	sst s0;
	s0 =	simm.s32 @!p1 $0x0  }
0x14: {  	s2 =	sld [smem:$0x3F9B];
	s0 =	simm.s32 @p1 $0x1  }
0x15: {  	[smem:$0x3FB8] =	sst s0;
	s0 =	simm.s32 @!p2 $0x0  }
0x16: {  	s3 =	sld [smem:$0x3FDB];
	s0 =	simm.s32 @p2 $0x1  }
0x17: {  	s4 =	simm.s32 $0x1BF5;
	[smem:$0x3FBA] =	sst s0  }
0x18: {  	s0 =	sld [smem:$0x3F9D];
	_ =	swait.ge [sflag:s4], $0x0  }
0x19: {  	s7 =	sld [smem:$0x3F9E]  }
0x1a: {  	s8 =	sadd.s32 $0xFFFFE003, lr  }
0x1b: {  	s9 =	sadd.s32 $0xFFFFFEF7, lr;
	s5 =	simm.s32 $0xFFFFFFFF;
	p2 =	slt.u32 s8, $0xFFFFF086  }
0x1c: {  	p1 =	slt.u32 s9, $0xF7A;
	s5 =	simm.s32 @!p2 $0x0  }
0x1d: {  	s5 =	simm.s32 @p1 $0x1;
	p0 =	seq.s32 s7, s2  }
0x1e: {  	s7 =	smul.u32 @!p0 $0xF7A, s2;
	p2 =	seq.s32 @!p0 s5, $0x0  }
0x1f: {  	s9 =	smul.u32 $0xF7A, s1;
	s8 =	simm.s32 @!p0 $0x1BF5;
	p2 =	por !p2, p0  }
0x20: {  	[sflag:s8] =	ssyncset.s32 @!p0 $0xFFFFF086;
	s6 =	sadd.s32 @!p0 s3, s7;
	s7 =	simm.s32 @!p0 $0x108  }
0x21: {  	s3 =	sadd.s32 s3, s9;
	s6 =	sadd.s32 @!p0 $0x88, s6;
	s7 =	simm.s32 @p2 $0x1082  }
0x22: {  	[simem:s7], [sflag:s8] =	dma.local @!p0 [hbm:s6], $0xF7A  }
0x23: {  	s9 =	sor.u32 $0xD0000000, s2;
	s6 =	simm.s32 $0x108;
	_ =	swait.ge @!p0 [sflag:s8], $0x0  }
0x24: {  	s3 =	sadd.s32 $0x88, s3;
	s6 =	simm.s32 @!p1 $0x1082;
	[sflag:s4] =	ssyncset.s32 $0xFFFFF086  }
0x25: {  	[simem:s6], [sflag:s4] =	dma.local [hbm:s3], $0xF7A  }
0x26: {  	[smem:$0x3F9E] =	sst s1;
	(tag) =	ssettag s2;
	_ =	strace s9  }
0x27: {  	s1 =	sld [smem:$0x3FAE]  }
0x28: {  	s2 =	sld [smem:$0x3FAF]  }
0x29: {  	s4 =	sld [smem:$0x3FB1]  }
0x2a: {  	p0 =	seq.s32 s5, $0x0;
	s5 =	sld [smem:$0x3FB2]  }
0x2b: {  	s6 =	sld [smem:$0x3FB3]  }
0x2c: {  	s7 =	sld [smem:$0x3FB4]  }
0x2d: {  	s3 =	simm.s32 $0x108;
	s8 =	sld [smem:$0x3FB5]  }
0x2e: {  	s3 =	simm.s32 @!p0 $0x1082;
	s9 =	sld [smem:$0x3FB6]  }
0x2f: {  	lr =	sadd.s32 s0, s3;
	s0 =	sld [smem:$0x3FAD]  }
0x30: {  	s3 =	sld [smem:$0x3FB0]  }
0x31: {  	[smem:$0x3FB9] =	sst s10  }
0x32: {  	s10 =	sld [smem:$0x3FB7];
	_ =	sdelay $0x3  }
0x33: {  	p0 =	seq.s32 s10, $0x1;
	s10 =	sld [smem:$0x3FB9];
	_ =	sdelay $0x3  }
0x34: {  	[smem:$0x3FB9] =	sst s10  }
0x35: {  	s10 =	sld [smem:$0x3FB8];
	_ =	sdelay $0x3  }
0x36: {  	p1 =	seq.s32 s10, $0x1;
	s10 =	sld [smem:$0x3FB9];
	_ =	sdelay $0x3  }
0x37: {  	[smem:$0x3FB9] =	sst s10  }
0x38: {  	s10 =	sld [smem:$0x3FBA]  }
0x39: {  	_ = 	snop;
	(pc) =	sbr.ind lr, $3  }
0x3a: {  	_ = 	snop  }
0x3b: {  	_ = 	snop  }
0x3c: {  	p2 =	seq.s32 s10, $0x1;
	s10 =	sld [smem:$0x3FB9]  }
0x3d: {  	_ =	shalt  }
0x3e: {  	_ =	shalt  }
0x3f: {  	_ =	shalt  }
0x40: {  	_ =	shalt  }
0x41: {  	_ =	shalt  }
0x42: {  	_ =	shalt  }
0x43: {  	_ =	shalt  }
0x44: {  	_ =	shalt  }
0x45: {  	_ =	shalt  }
0x46: {  	_ =	shalt  }
0x47: {  	_ =	shalt  }
0x48: {  	_ =	shalt  }
0x49: {  	_ =	shalt  }
0x4a: {  	_ =	shalt  }
0x4b: {  	_ =	shalt  }
0x4c: {  	_ =	shalt  }
0x4d: {  	_ =	shalt  }
0x4e: {  	_ =	shalt  }
0x4f: {  	_ =	shalt  }
0x50: {  	_ =	shalt  }
0x51: {  	_ =	shalt  }
0x52: {  	_ =	shalt  }
0x53: {  	_ =	shalt  }
0x54: {  	_ =	shalt  }
0x55: {  	_ =	shalt  }
0x56: {  	_ =	shalt  }
0x57: {  	_ =	shalt  }
0x58: {  	_ =	shalt  }
0x59: {  	_ =	shalt  }
0x5a: {  	_ =	shalt  }
0x5b: {  	_ =	shalt  }
0x5c: {  	_ =	shalt  }
0x5d: {  	_ =	shalt  }
0x5e: {  	_ =	shalt  }
0x5f: {  	_ =	shalt  }
0x60: {  	_ =	shalt  }
0x61: {  	_ =	shalt  }
0x62: {  	_ =	shalt  }
0x63: {  	_ =	shalt  }
0x64: {  	_ =	shalt  }
0x65: {  	_ =	shalt  }
0x66: {  	_ =	shalt  }
0x67: {  	_ =	shalt  }
0x68: {  	_ =	shalt  }
0x69: {  	_ =	shalt  }
0x6a: {  	_ =	shalt  }
0x6b: {  	_ =	shalt  }
0x6c: {  	_ =	shalt  }
0x6d: {  	_ =	shalt  }
0x6e: {  	_ =	shalt  }
0x6f: {  	_ =	shalt  }
0x70: {  	_ =	shalt  }
0x71: {  	_ =	shalt  }
0x72: {  	_ =	shalt  }
0x73: {  	_ =	shalt  }
0x74: {  	_ =	shalt  }
0x75: {  	_ =	shalt  }
0x76: {  	_ =	shalt  }
0x77: {  	_ =	shalt  }
0x78: {  	_ =	shalt  }
0x79: {  	_ =	shalt  }
0x7a: {  	_ =	shalt  }
0x7b: {  	_ =	shalt  }
0x7c: {  	_ =	shalt  }
0x7d: {  	_ =	shalt  }
0x7e: {  	_ =	shalt  }
0x7f: {  	_ =	shalt  }
0x80: {  	_ =	shalt  }
0x81: {  	_ =	shalt  }
0x82: {  	_ =	shalt  }
0x83: {  	_ =	shalt  }
0x84: {  	_ =	shalt  }
0x85: {  	_ =	shalt  }
0x86: {  	_ =	shalt  }
0x87: {  	_ =	shalt  }
.Lfunc_end0:
.L_simem_size_0:
called_computation_lowered:
.L_overlay_start_0:
0x88: {  	s2 =	sld [smem:$0x3FD9]  }
0x89: {  	s3 =	sld [smem:$0x3FFE];
	_ =	sdelay $0x1  }
0x8a: {  	s1 =	srdreg.scid  }
0x8b: {  	s0 =	sand.u32 $0x1, s1  }
0x8c: {  	s17 =	sshll.u32 s0, $0xA;
	s2 =	sadd.s32 s3, s2  }
0x8d: {  	s2 =	sadd.s32 s2, s17  }
0x8e: {  	[smem:$0x3FC5] =	sst s2  }
0x8f: {  	_ = 	snop  }
0x90: {  	s2 =	sld [smem:$0x3FC8]  }
0x91: {  	s18 =	sld [smem:$0x3FD0];
	(tm) =	ssettm $0x1  }
0x92: {  	s4 =	sld [smem:$0x3FFB];
	_ =	sdelay $0x3  }
0x93: {  	_ =	strace s4  }
0x94: {  	s4 =	sld [smem:$0x3FFC];
	_ =	sdelay $0x3  }
0x95: {  	_ =	strace s4  }
0x96: {  	s4 =	sld [smem:$0x3FFD];
	_ =	sdelay $0x3  }
0x97: {  	_ =	strace s4  }
0x98: {  	_ =	strace $0x8FFFFFFF  }
0x99: {  	s19 =	sld [smem:$0x3FDB];
	_ =	sdelay $0x1  }
0x9a: {  	s5 =	simm.s32 $_scs_section_size  }
0x9b: {  	s6 =	simm.s32 $_size__tile_overlayer_lowered;
	s7 =	simm.s32 $_tile_overlayer_lowered  }
0x9c: {  	s22 =	simm.s32 $0x1BFF;
	s21 =	sshll.u32 s7, $0x1;
	s4 =	sadd.s32 s5, s19  }
0x9d: {  	s8 =	simm.s32 $0x0;
	s20 =	sshll.u32 s6, $0x1;
	s6 =	sadd.s32 s21, s4  }
0x9e: {  	[timem:s8], [sflag:s22] =	dma.local [hbm:s6], s20  }
0x9f: {  	_ =	swait.ge [sflag:s22], s20  }
0xa0: {  	s5 =	ssub.s32 $0x0, s20;
	[sflag:s22] =	ssyncset.done $0x0  }
0xa1: {  	[sflag:s22] =	ssyncadd.s32 s5;
	_ =	sdelay $0x1  }
0xa2: {  	s23 =	simm.s32 $0x1B8B  }
0xa3: {  	_ =	swait.ge [sflag:s23], $0x1  }
0xa4: {  	[sflag:s23] =	ssyncset.done $0x0  }
0xa5: {  	s25 =	simm.s32 $0x1B8E;
	s24 =	sld [smem:$0x3FFE];
	[sflag:s23] =	ssyncadd.s32 $0xFFFFFFFF  }
0xa6: {  	s26 =	simm.s32 $execute0_lowered;
	[smem:$0x3FD2] =	sst s25  }
0xa7: {  	s6 =	sshll.u32 s26, $0x1;
	_ =	strace $0x80000046;
	[dreg:$0x1] =	wrdreg $0xFFFFFFFF  }
0xa8: {  	s28 =	simm.s32 $_size_execute0_lowered;
	s4 =	sadd.s32 s4, s6;
	[dreg:$0x0] =	wrdreg $0x0  }
0xa9: {  	s6 =	sshll.u32 s28, $0x1;
	[dreg:$0x2] =	wrdreg s4  }
0xaa: {  	[dreg:$0x3] =	wrdreg s6  }
0xab: {  	[dreg:$0x4] =	wrdreg $0xC0  }
0xac: {  	_ =	task [dreg:s8], $0x5FFFF  }
0xad: {  	[dreg:$0x1] =	wrdreg $0xFFFFFFFF  }
0xae: {  	[dreg:$0x0] =	wrdreg $0x60  }
0xaf: {  	[dreg:$0x2] =	wrdreg s24  }
0xb0: {  	[dreg:$0x3] =	wrdreg s2  }
0xb1: {  	[dreg:$0x4] =	wrdreg s18  }
0xb2: {  	[dreg:$0x5] =	wrdreg $0x9  }
0xb3: {  	_ =	task.clear_ibuf [dreg:s8], $0x6FFFF;
	_ =	strace $0x90000046  }
0xb4: {  	s29 =	simm.s32 $0x9;
	_ =	strace $0x80000048  }
0xb5: {  	_ =	swait.ge [sflag:s29], $0x1  }
0xb6: {  	[sflag:s29] =	ssyncadd.s32 $0xFFFFFFFF  }
0xb7: {  	_ =	strace $0x90000048  }
0xb8: {  	_ =	sfence  }
0xb9: {  	s30 =	sld [smem:$0x0];
	_ =	sdelay $0x2  }
0xba: {  	s31 =	sshll.u32 s1, $0xD;
	s1 =	sshrl.u32 s1, $0x2  }
0xbb: {  	s3 =	sand.u32 $0x4000, s31;
	s1 =	sadd.s32 s1, s30  }
0xbc: {  	s0 =	sor.u32 s3, s0;
	s1 =	sshll.u32 s1, $0x11  }
0xbd: {  	s0 =	sor.u32 s1, s0  }
0xbe: {  	s0 =	sadd.s32 $0x8F2B, s0  }
0xbf: {  	[sflag:s0] =	ssyncadd.remote.s32 $0x1  }
0xc0: {  	_ =	sfence.sel $0xFFFF  }
0xc1: {  	[dreg:$0x0] =	wrdreg $0xFFFFFFFF;
	(pc) =	sbr.abs _section_cstart, $3  }
0xc2: {  	[dreg:$0x1] =	wrdreg $0xFFFFFFFF  }
0xc3: {  	_ =	task.clear_ibuf [dreg:s8], $0x2FFFF;
	_ =	strace $0x9FFFFFFF  }
0xc4: {  	(tm) =	ssettm $0x7FFFFFFF  }
0xc5: {  	_ =	shalt  }
tec
execute0_lowered:
.L_overlay_start_1:
0x0: {  	(tag) =	ssettag $0x1  }
0x1: {  	s0 =	rddreg [dreg:$0x0]  }
0x2: {  	s2 =	rddreg [dreg:$0x1]  }
0x3: {  	s1 =	rddreg [dreg:$0x2]  }
0x4: {  	s3 =	srdreg.scid;
	s5 =	stileid.u32  }
0x5: {  	s18 =	simm.s32 $0x1;
	s20 =	simm.s32 $0x880;
	s21 =	simm.s32 $0x1080  }
0x6: {  	s22 =	simm.s32 $0x1880;
	s23 =	simm.s32 $0x2080;
	s24 =	simm.s32 $0x2880  }
0x7: {  	s28 =	simm.s32 $0x4080;
	s29 =	simm.s32 $0x4880;
	s30 =	simm.s32 $0x5080  }
0x8: {  	s31 =	simm.s32 $0x5880;
	s10 =	simm.s32 $0x7080;
	s11 =	simm.s32 $0x7880  }
0x9: {  	s12 =	simm.s32 $0x8080;
	s13 =	simm.s32 $0x8880;
	s14 =	simm.s32 $0x9080  }
0xa: {  	s15 =	simm.s32 $0x9880;
	s16 =	simm.s32 $0xA080;
	s17 =	simm.s32 $0xA880  }
0xb: {  	s4 =	sand.u32 $0x1, s3;
	s3 =	simm.s32 $0x0;
	s5 =	sshll.u32 s5, $0x8  }
0xc: {  	s0 =	sadd.s32 $0x600, s0;
	s6 =	sshll.u32 s4, $0x7;
	s4 =	ssub.s32 $0x2, s4  }
0xd: {  	[smem:$0x7FF] =	sst s3;
	s5 =	sor.u32 s6, s5;
	s7 =	sshrl.u32 s4, $0x1  }
0xe: {  	_ =	strace $0x80000047;
	s6 =	sshrl.u32 s5, $0x3;
	s7 =	ssub.s32 s4, s7  }
0xf: {  	s4 =	sadd.s32 $0x100, s2;
	s25 =	sshll.u32 s5, $0x7;
	s8 =	sor.u32 $0x40, s5  }
0x10: {  	s5 =	sadd.s32 $0x200, s2;
	s6 =	sadd.s32 s0, s6;
	s9 =	sshrl.u32 s8, $0x3  }
0x11: {  	s8 =	sshll.u32 s8, $0x7;
	s7 =	smax.u32 s7, $0x1;
	[dreg:$0x4] =	wrdreg s6  }
0x12: {  	s6 =	sadd.s32 s1, s25;
	s0 =	sadd.s32 s0, s9;
	s26 =	sadd.s32 s1, s8  }
0x13: {  	v2 =	vlaneseq.u32;
	s8 =	simm.s32 $0x2;
	s25 =	simm.s32 $0x3080;
	[dreg:$0x5] =	wrdreg s6  }
0x14: {  	vm0 =	vmmov $0xffff;
	v1 =	vshrl.u32 v2, $0x3;
	s9 =	simm.s32 $0xB080;
	s6 =	sadd.s32 $0x300, s2;
	[dreg:$0x6] =	wrdreg s0  }
0x15: {  	v0 =	vand.u32 $0x7, v2;
	v2 =	vor.u32 $0x8, v2;
	v1 =	vmul.u32 $0x8, v1;
	[dreg:$0x7] =	wrdreg s26;
	s0 =	simm.s32 $0x80;
	s26 =	simm.s32 $0x3880  }
.LBB2_1:
0x16: {  	s19 =	rddreg [dreg:$0x4]  }
0x17: {  	[tilespmem:s3], [sflag:$0x2] =	stream.linear.gather [hbm4b:s19+s3], $0x40, $0x38;
	[tilespmem:$0x10080] =	vst v63  }
0x18: {  	_ =	swait.ge [sflag:s8], $0x40  }
0x19: {  	[sflag:s8] =	ssyncset.done $0x0  }
0x1a: {  	[sflag:s8] =	ssyncadd.s32 $0xFFFFFFC0  }
0x1b: {  	v3 =	vld [tilespmem:$0x0];
	_ =	sdelay $0x4  }
0x1c: {  	v4 =	vshll.u32 v3, $0x3  }
0x1d: {  	v3 =	vand.u32 $0x7, v3;
	v4 =	vand.u32 $0xFFFFFFC0, v4  }
0x1e: {  	v3 =	vor.u32 v3, v4  }
0x1f: {  	v4 =	vperm.xlane v3, v0;
	_ =	sdelay $0x1  }
0x20: {  	v4 =	vadd.s32 v1, v4;
	_ =	sdelay $0x4  }
0x21: {  	[tilespmem:s0], [sflag:$0x1] =	stream.indirect_vreg.gather [hbm4b:s2+s3], $0x80, v4, vm0, $0xb8;
	[tilespmem:$0x10080] =	vst v63  }
0x22: {  	v3 =	vperm.xlane v3, v2  }
0x23: {  	[tilespmem:s20], [sflag:$0x1] =	stream.indirect_vreg.gather [hbm4b:s4+s3], $0x80, v4, vm0, $0xb8;
	[tilespmem:$0x10080] =	vst v63  }
0x24: {  	v3 =	vadd.s32 v1, v3  }
0x25: {  	[tilespmem:s21], [sflag:$0x1] =	stream.indirect_vreg.gather [hbm4b:s5+s3], $0x80, v4, vm0, $0xb8;
	[tilespmem:$0x10080] =	vst v63  }
0x26: {  	_ = 	snop  }
0x27: {  	[tilespmem:s22], [sflag:$0x1] =	stream.indirect_vreg.gather [hbm4b:s6+s3], $0x80, v4, vm0, $0xb8;
	[tilespmem:$0x10080] =	vst v63  }
0x28: {  	_ = 	snop  }
0x29: {  	[tilespmem:s23], [sflag:$0x1] =	stream.indirect_vreg.gather [hbm4b:s2+s3], $0x80, v3, vm0, $0xb8;
	[tilespmem:$0x10080] =	vst v63  }
0x2a: {  	_ = 	snop  }
0x2b: {  	[tilespmem:s24], [sflag:$0x1] =	stream.indirect_vreg.gather [hbm4b:s4+s3], $0x80, v3, vm0, $0xb8;
	[tilespmem:$0x10080] =	vst v63  }
0x2c: {  	_ = 	snop  }
0x2d: {  	[tilespmem:s25], [sflag:$0x1] =	stream.indirect_vreg.gather [hbm4b:s5+s3], $0x80, v3, vm0, $0xb8;
	[tilespmem:$0x10080] =	vst v63  }
0x2e: {  	_ = 	snop  }
0x2f: {  	[tilespmem:s26], [sflag:$0x1] =	stream.indirect_vreg.gather [hbm4b:s6+s3], $0x80, v3, vm0, $0xb8;
	[tilespmem:$0x10080] =	vst v63  }
0x30: {  	v3 =	vld [tilespmem:$0x10];
	_ =	sdelay $0x4  }
0x31: {  	v57 =	vshll.u32 v3, $0x3  }
0x32: {  	v3 =	vand.u32 $0x7, v3;
	v4 =	vand.u32 $0xFFFFFFC0, v57  }
0x33: {  	v3 =	vor.u32 v3, v4  }
0x34: {  	v4 =	vperm.xlane v3, v0;
	_ =	sdelay $0x1  }
0x35: {  	v4 =	vadd.s32 v1, v4;
	_ =	sdelay $0x4  }
0x36: {  	[tilespmem:s28], [sflag:$0x1] =	stream.indirect_vreg.gather [hbm4b:s2+s3], $0x80, v4, vm0, $0xb8;
	[tilespmem:$0x10080] =	vst v63  }
0x37: {  	v3 =	vperm.xlane v3, v2  }
0x38: {  	[tilespmem:s29], [sflag:$0x1] =	stream.indirect_vreg.gather [hbm4b:s4+s3], $0x80, v4, vm0, $0xb8;
	[tilespmem:$0x10080] =	vst v63  }
0x39: {  	v3 =	vadd.s32 v1, v3  }
0x3a: {  	[tilespmem:s30], [sflag:$0x1] =	stream.indirect_vreg.gather [hbm4b:s5+s3], $0x80, v4, vm0, $0xb8;
	[tilespmem:$0x10080] =	vst v63  }
0x3b: {  	_ = 	snop  }
0x3c: {  	[tilespmem:s31], [sflag:$0x1] =	stream.indirect_vreg.gather [hbm4b:s6+s3], $0x80, v4, vm0, $0xb8;
	[tilespmem:$0x10080] =	vst v63  }
0x3d: {  	s1 =	simm.s32 $0x6080  }
0x3e: {  	[tilespmem:s1], [sflag:$0x1] =	stream.indirect_vreg.gather [hbm4b:s2+s3], $0x80, v3, vm0, $0xb8;
	[tilespmem:$0x10080] =	vst v63  }
0x3f: {  	s1 =	simm.s32 $0x6880  }
0x40: {  	[tilespmem:s1], [sflag:$0x1] =	stream.indirect_vreg.gather [hbm4b:s4+s3], $0x80, v3, vm0, $0xb8;
	[tilespmem:$0x10080] =	vst v63  }
0x41: {  	_ = 	snop  }
0x42: {  	[tilespmem:s10], [sflag:$0x1] =	stream.indirect_vreg.gather [hbm4b:s5+s3], $0x80, v3, vm0, $0xb8;
	[tilespmem:$0x10080] =	vst v63  }
0x43: {  	_ = 	snop  }
0x44: {  	[tilespmem:s11], [sflag:$0x1] =	stream.indirect_vreg.gather [hbm4b:s6+s3], $0x80, v3, vm0, $0xb8;
	[tilespmem:$0x10080] =	vst v63  }
0x45: {  	v3 =	vld [tilespmem:$0x20];
	_ =	sdelay $0x4  }
0x46: {  	v58 =	vshll.u32 v3, $0x3  }
0x47: {  	v3 =	vand.u32 $0x7, v3;
	v4 =	vand.u32 $0xFFFFFFC0, v58  }
0x48: {  	v3 =	vor.u32 v3, v4  }
0x49: {  	v4 =	vperm.xlane v3, v0;
	_ =	sdelay $0x1  }
0x4a: {  	v4 =	vadd.s32 v1, v4;
	_ =	sdelay $0x4  }
0x4b: {  	[tilespmem:s12], [sflag:$0x1] =	stream.indirect_vreg.gather [hbm4b:s2+s3], $0x80, v4, vm0, $0xb8;
	[tilespmem:$0x10080] =	vst v63  }
0x4c: {  	v3 =	vperm.xlane v3, v2  }
0x4d: {  	[tilespmem:s13], [sflag:$0x1] =	stream.indirect_vreg.gather [hbm4b:s4+s3], $0x80, v4, vm0, $0xb8;
	[tilespmem:$0x10080] =	vst v63  }
0x4e: {  	v3 =	vadd.s32 v1, v3  }
0x4f: {  	[tilespmem:s14], [sflag:$0x1] =	stream.indirect_vreg.gather [hbm4b:s5+s3], $0x80, v4, vm0, $0xb8;
	[tilespmem:$0x10080] =	vst v63  }
0x50: {  	_ = 	snop  }
0x51: {  	[tilespmem:s15], [sflag:$0x1] =	stream.indirect_vreg.gather [hbm4b:s6+s3], $0x80, v4, vm0, $0xb8;
	[tilespmem:$0x10080] =	vst v63  }
0x52: {  	_ = 	snop  }
0x53: {  	[tilespmem:s16], [sflag:$0x1] =	stream.indirect_vreg.gather [hbm4b:s2+s3], $0x80, v3, vm0, $0xb8;
	[tilespmem:$0x10080] =	vst v63  }
0x54: {  	_ = 	snop  }
0x55: {  	[tilespmem:s17], [sflag:$0x1] =	stream.indirect_vreg.gather [hbm4b:s4+s3], $0x80, v3, vm0, $0xb8;
	[tilespmem:$0x10080] =	vst v63  }
0x56: {  	_ = 	snop  }
0x57: {  	[tilespmem:s9], [sflag:$0x1] =	stream.indirect_vreg.gather [hbm4b:s5+s3], $0x80, v3, vm0, $0xb8;
	[tilespmem:$0x10080] =	vst v63  }
0x58: {  	s19 =	simm.s32 $0xB880  }
0x59: {  	[tilespmem:s19], [sflag:$0x1] =	stream.indirect_vreg.gather [hbm4b:s6+s3], $0x80, v3, vm0, $0xb8;
	[tilespmem:$0x10080] =	vst v63  }
0x5a: {  	v3 =	vld [tilespmem:$0x30];
	_ =	sdelay $0x4  }
0x5b: {  	v59 =	vshll.u32 v3, $0x3  }
0x5c: {  	v3 =	vand.u32 $0x7, v3;
	v4 =	vand.u32 $0xFFFFFFC0, v59  }
0x5d: {  	v3 =	vor.u32 v3, v4  }
0x5e: {  	v4 =	vperm.xlane v3, v0;
	_ =	sdelay $0x1  }
0x5f: {  	v4 =	vadd.s32 v1, v4;
	_ =	sdelay $0x3  }
0x60: {  	s19 =	simm.s32 $0xC080  }
0x61: {  	[tilespmem:s19], [sflag:$0x1] =	stream.indirect_vreg.gather [hbm4b:s2+s3], $0x80, v4, vm0, $0xb8;
	[tilespmem:$0x10080] =	vst v63  }
0x62: {  	v3 =	vperm.xlane v3, v2;
	s19 =	simm.s32 $0xC880  }
0x63: {  	[tilespmem:s19], [sflag:$0x1] =	stream.indirect_vreg.gather [hbm4b:s4+s3], $0x80, v4, vm0, $0xb8;
	[tilespmem:$0x10080] =	vst v63  }
0x64: {  	v3 =	vadd.s32 v1, v3;
	s19 =	simm.s32 $0xD080  }
0x65: {  	[tilespmem:s19], [sflag:$0x1] =	stream.indirect_vreg.gather [hbm4b:s5+s3], $0x80, v4, vm0, $0xb8;
	[tilespmem:$0x10080] =	vst v63  }
0x66: {  	s19 =	simm.s32 $0xD880  }
0x67: {  	[tilespmem:s19], [sflag:$0x1] =	stream.indirect_vreg.gather [hbm4b:s6+s3], $0x80, v4, vm0, $0xb8;
	[tilespmem:$0x10080] =	vst v63  }
0x68: {  	s19 =	simm.s32 $0xE080  }
0x69: {  	[tilespmem:s19], [sflag:$0x1] =	stream.indirect_vreg.gather [hbm4b:s2+s3], $0x80, v3, vm0, $0xb8;
	[tilespmem:$0x10080] =	vst v63  }
0x6a: {  	s19 =	simm.s32 $0xE880  }
0x6b: {  	[tilespmem:s19], [sflag:$0x1] =	stream.indirect_vreg.gather [hbm4b:s4+s3], $0x80, v3, vm0, $0xb8;
	[tilespmem:$0x10080] =	vst v63  }
0x6c: {  	s19 =	simm.s32 $0xF080  }
0x6d: {  	[tilespmem:s19], [sflag:$0x1] =	stream.indirect_vreg.gather [hbm4b:s5+s3], $0x80, v3, vm0, $0xb8;
	[tilespmem:$0x10080] =	vst v63  }
0x6e: {  	s19 =	simm.s32 $0xF880  }
0x6f: {  	[tilespmem:s19], [sflag:$0x1] =	stream.indirect_vreg.gather [hbm4b:s6+s3], $0x80, v3, vm0, $0xb8;
	[tilespmem:$0x10080] =	vst v63  }
0x70: {  	_ =	swait.ge [sflag:s18], $0x10000  }
0x71: {  	[sflag:s18] =	ssyncset.done $0x0  }
0x72: {  	s19 =	rddreg [dreg:$0x5];
	[sflag:s18] =	ssyncadd.s32 $0xFFFF0000  }
0x73: {  	[hbm4b:s19+s3] =	stream.linear.scatter [tilespmem:s0], [sflag:$0x2], $0x10000, $0x38;
	[tilespmem:$0x10080] =	vst v63  }
0x74: {  	_ =	swait.ge [sflag:s8], $0x10000  }
0x75: {  	[sflag:s8] =	ssyncset.done $0x0  }
0x76: {  	s19 =	rddreg [dreg:$0x6];
	[sflag:s8] =	ssyncadd.s32 $0xFFFF0000  }
0x77: {  	[tilespmem:s3], [sflag:$0x2] =	stream.linear.gather [hbm4b:s19+s3], $0x40, $0x38;
	[tilespmem:$0x10080] =	vst v63  }
0x78: {  	_ =	swait.ge [sflag:s8], $0x40  }
0x79: {  	[sflag:s8] =	ssyncset.done $0x0  }
0x7a: {  	[sflag:s8] =	ssyncadd.s32 $0xFFFFFFC0  }
0x7b: {  	v3 =	vld [tilespmem:$0x0];
	_ =	sdelay $0x4  }
0x7c: {  	v60 =	vshll.u32 v3, $0x3  }
0x7d: {  	v3 =	vand.u32 $0x7, v3;
	v4 =	vand.u32 $0xFFFFFFC0, v60  }
0x7e: {  	v3 =	vor.u32 v3, v4  }
0x7f: {  	v4 =	vperm.xlane v3, v0;
	_ =	sdelay $0x1  }
0x80: {  	v4 =	vadd.s32 v1, v4;
	_ =	sdelay $0x4  }
0x81: {  	[tilespmem:s0], [sflag:$0x1] =	stream.indirect_vreg.gather [hbm4b:s2+s3], $0x80, v4, vm0, $0xb8;
	[tilespmem:$0x10080] =	vst v63  }
0x82: {  	v3 =	vperm.xlane v3, v2  }
0x83: {  	[tilespmem:s20], [sflag:$0x1] =	stream.indirect_vreg.gather [hbm4b:s4+s3], $0x80, v4, vm0, $0xb8;
	[tilespmem:$0x10080] =	vst v63  }
0x84: {  	v3 =	vadd.s32 v1, v3  }
0x85: {  	[tilespmem:s21], [sflag:$0x1] =	stream.indirect_vreg.gather [hbm4b:s5+s3], $0x80, v4, vm0, $0xb8;
	[tilespmem:$0x10080] =	vst v63  }
0x86: {  	_ = 	snop  }
0x87: {  	[tilespmem:s22], [sflag:$0x1] =	stream.indirect_vreg.gather [hbm4b:s6+s3], $0x80, v4, vm0, $0xb8;
	[tilespmem:$0x10080] =	vst v63  }
0x88: {  	_ = 	snop  }
0x89: {  	[tilespmem:s23], [sflag:$0x1] =	stream.indirect_vreg.gather [hbm4b:s2+s3], $0x80, v3, vm0, $0xb8;
	[tilespmem:$0x10080] =	vst v63  }
0x8a: {  	_ = 	snop  }
0x8b: {  	[tilespmem:s24], [sflag:$0x1] =	stream.indirect_vreg.gather [hbm4b:s4+s3], $0x80, v3, vm0, $0xb8;
	[tilespmem:$0x10080] =	vst v63  }
0x8c: {  	_ = 	snop  }
0x8d: {  	[tilespmem:s25], [sflag:$0x1] =	stream.indirect_vreg.gather [hbm4b:s5+s3], $0x80, v3, vm0, $0xb8;
	[tilespmem:$0x10080] =	vst v63  }
0x8e: {  	_ = 	snop  }
0x8f: {  	[tilespmem:s26], [sflag:$0x1] =	stream.indirect_vreg.gather [hbm4b:s6+s3], $0x80, v3, vm0, $0xb8;
	[tilespmem:$0x10080] =	vst v63  }
0x90: {  	v3 =	vld [tilespmem:$0x10];
	_ =	sdelay $0x4  }
0x91: {  	v61 =	vshll.u32 v3, $0x3  }
0x92: {  	v3 =	vand.u32 $0x7, v3;
	v4 =	vand.u32 $0xFFFFFFC0, v61  }
0x93: {  	v3 =	vor.u32 v3, v4  }
0x94: {  	v4 =	vperm.xlane v3, v0;
	_ =	sdelay $0x1  }
0x95: {  	v4 =	vadd.s32 v1, v4;
	_ =	sdelay $0x4  }
0x96: {  	[tilespmem:s28], [sflag:$0x1] =	stream.indirect_vreg.gather [hbm4b:s2+s3], $0x80, v4, vm0, $0xb8;
	[tilespmem:$0x10080] =	vst v63  }
0x97: {  	v3 =	vperm.xlane v3, v2  }
0x98: {  	[tilespmem:s29], [sflag:$0x1] =	stream.indirect_vreg.gather [hbm4b:s4+s3], $0x80, v4, vm0, $0xb8;
	[tilespmem:$0x10080] =	vst v63  }
0x99: {  	v3 =	vadd.s32 v1, v3  }
0x9a: {  	[tilespmem:s30], [sflag:$0x1] =	stream.indirect_vreg.gather [hbm4b:s5+s3], $0x80, v4, vm0, $0xb8;
	[tilespmem:$0x10080] =	vst v63  }
0x9b: {  	_ = 	snop  }
0x9c: {  	[tilespmem:s31], [sflag:$0x1] =	stream.indirect_vreg.gather [hbm4b:s6+s3], $0x80, v4, vm0, $0xb8;
	[tilespmem:$0x10080] =	vst v63  }
0x9d: {  	s19 =	simm.s32 $0x6080  }
0x9e: {  	[tilespmem:s19], [sflag:$0x1] =	stream.indirect_vreg.gather [hbm4b:s2+s3], $0x80, v3, vm0, $0xb8;
	[tilespmem:$0x10080] =	vst v63  }
0x9f: {  	_ = 	snop  }
0xa0: {  	[tilespmem:s1], [sflag:$0x1] =	stream.indirect_vreg.gather [hbm4b:s4+s3], $0x80, v3, vm0, $0xb8;
	[tilespmem:$0x10080] =	vst v63  }
0xa1: {  	_ = 	snop  }
0xa2: {  	[tilespmem:s10], [sflag:$0x1] =	stream.indirect_vreg.gather [hbm4b:s5+s3], $0x80, v3, vm0, $0xb8;
	[tilespmem:$0x10080] =	vst v63  }
0xa3: {  	_ = 	snop  }
0xa4: {  	[tilespmem:s11], [sflag:$0x1] =	stream.indirect_vreg.gather [hbm4b:s6+s3], $0x80, v3, vm0, $0xb8;
	[tilespmem:$0x10080] =	vst v63  }
0xa5: {  	v3 =	vld [tilespmem:$0x20];
	_ =	sdelay $0x4  }
0xa6: {  	v62 =	vshll.u32 v3, $0x3  }
0xa7: {  	v3 =	vand.u32 $0x7, v3;
	v4 =	vand.u32 $0xFFFFFFC0, v62  }
0xa8: {  	v3 =	vor.u32 v3, v4  }
0xa9: {  	v4 =	vperm.xlane v3, v0;
	_ =	sdelay $0x1  }
0xaa: {  	v4 =	vadd.s32 v1, v4;
	_ =	sdelay $0x4  }
0xab: {  	[tilespmem:s12], [sflag:$0x1] =	stream.indirect_vreg.gather [hbm4b:s2+s3], $0x80, v4, vm0, $0xb8;
	[tilespmem:$0x10080] =	vst v63  }
0xac: {  	v3 =	vperm.xlane v3, v2  }
0xad: {  	[tilespmem:s13], [sflag:$0x1] =	stream.indirect_vreg.gather [hbm4b:s4+s3], $0x80, v4, vm0, $0xb8;
	[tilespmem:$0x10080] =	vst v63  }
0xae: {  	v3 =	vadd.s32 v1, v3  }
0xaf: {  	[tilespmem:s14], [sflag:$0x1] =	stream.indirect_vreg.gather [hbm4b:s5+s3], $0x80, v4, vm0, $0xb8;
	[tilespmem:$0x10080] =	vst v63  }
0xb0: {  	_ = 	snop  }
0xb1: {  	[tilespmem:s15], [sflag:$0x1] =	stream.indirect_vreg.gather [hbm4b:s6+s3], $0x80, v4, vm0, $0xb8;
	[tilespmem:$0x10080] =	vst v63  }
0xb2: {  	_ = 	snop  }
0xb3: {  	[tilespmem:s16], [sflag:$0x1] =	stream.indirect_vreg.gather [hbm4b:s2+s3], $0x80, v3, vm0, $0xb8;
	[tilespmem:$0x10080] =	vst v63  }
0xb4: {  	_ = 	snop  }
0xb5: {  	[tilespmem:s17], [sflag:$0x1] =	stream.indirect_vreg.gather [hbm4b:s4+s3], $0x80, v3, vm0, $0xb8;
	[tilespmem:$0x10080] =	vst v63  }
0xb6: {  	_ = 	snop  }
0xb7: {  	[tilespmem:s9], [sflag:$0x1] =	stream.indirect_vreg.gather [hbm4b:s5+s3], $0x80, v3, vm0, $0xb8;
	[tilespmem:$0x10080] =	vst v63  }
0xb8: {  	s19 =	simm.s32 $0xB880  }
0xb9: {  	[tilespmem:s19], [sflag:$0x1] =	stream.indirect_vreg.gather [hbm4b:s6+s3], $0x80, v3, vm0, $0xb8;
	[tilespmem:$0x10080] =	vst v63  }
0xba: {  	v3 =	vld [tilespmem:$0x30];
	_ =	sdelay $0x4  }
0xbb: {  	v63 =	vshll.u32 v3, $0x3  }
0xbc: {  	v3 =	vand.u32 $0x7, v3;
	v4 =	vand.u32 $0xFFFFFFC0, v63  }
0xbd: {  	v3 =	vor.u32 v3, v4  }
0xbe: {  	v4 =	vperm.xlane v3, v0;
	_ =	sdelay $0x1  }
0xbf: {  	v4 =	vadd.s32 v1, v4;
	_ =	sdelay $0x3  }
0xc0: {  	s19 =	simm.s32 $0xC080  }
0xc1: {  	[tilespmem:s19], [sflag:$0x1] =	stream.indirect_vreg.gather [hbm4b:s2+s3], $0x80, v4, vm0, $0xb8;
	[tilespmem:$0x10080] =	vst v63  }
0xc2: {  	v3 =	vperm.xlane v3, v2;
	s19 =	simm.s32 $0xC880  }
0xc3: {  	[tilespmem:s19], [sflag:$0x1] =	stream.indirect_vreg.gather [hbm4b:s4+s3], $0x80, v4, vm0, $0xb8;
	[tilespmem:$0x10080] =	vst v63  }
0xc4: {  	v3 =	vadd.s32 v1, v3;
	s19 =	simm.s32 $0xD080  }
0xc5: {  	[tilespmem:s19], [sflag:$0x1] =	stream.indirect_vreg.gather [hbm4b:s5+s3], $0x80, v4, vm0, $0xb8;
	[tilespmem:$0x10080] =	vst v63  }
0xc6: {  	s19 =	simm.s32 $0xD880  }
0xc7: {  	[tilespmem:s19], [sflag:$0x1] =	stream.indirect_vreg.gather [hbm4b:s6+s3], $0x80, v4, vm0, $0xb8;
	[tilespmem:$0x10080] =	vst v63  }
0xc8: {  	s19 =	simm.s32 $0xE080  }
0xc9: {  	[tilespmem:s19], [sflag:$0x1] =	stream.indirect_vreg.gather [hbm4b:s2+s3], $0x80, v3, vm0, $0xb8;
	[tilespmem:$0x10080] =	vst v63  }
0xca: {  	s19 =	simm.s32 $0xE880  }
0xcb: {  	[tilespmem:s19], [sflag:$0x1] =	stream.indirect_vreg.gather [hbm4b:s4+s3], $0x80, v3, vm0, $0xb8;
	[tilespmem:$0x10080] =	vst v63  }
0xcc: {  	s19 =	simm.s32 $0xF080  }
0xcd: {  	[tilespmem:s19], [sflag:$0x1] =	stream.indirect_vreg.gather [hbm4b:s5+s3], $0x80, v3, vm0, $0xb8;
	[tilespmem:$0x10080] =	vst v63  }
0xce: {  	s19 =	simm.s32 $0xF880  }
0xcf: {  	[tilespmem:s19], [sflag:$0x1] =	stream.indirect_vreg.gather [hbm4b:s6+s3], $0x80, v3, vm0, $0xb8;
	[tilespmem:$0x10080] =	vst v63  }
0xd0: {  	_ =	swait.ge [sflag:s18], $0x10000  }
0xd1: {  	p0 =	sne.s32 s7, $0x1;
	[sflag:s18] =	ssyncset.done $0x0  }
.Ltmp0:
0xd2: {  	s1 =	rddreg [dreg:$0x7];
	[sflag:s18] =	ssyncadd.s32 $0xFFFF0000;
	(pc) =	sbr.rel @p0 .LBB2_1-.Ltmp0, $4  }
0xd3: {  	[hbm4b:s1+s3] =	stream.linear.scatter [tilespmem:s0], [sflag:$0x2], $0x10000, $0x38;
	[tilespmem:$0x10080] =	vst v63  }
0xd4: {  	_ =	swait.ge [sflag:s8], $0x10000  }
0xd5: {  	[sflag:s8] =	ssyncset.done $0x0  }
0xd6: {  	s7 =	sadd.s32 $0xFFFFFFFF, s7;
	[sflag:s8] =	ssyncadd.s32 $0xFFFF0000  }
0xd7: {  	_ =	sfence.sel $0x180000  }
0xd8: {  	[bflag:$0x0] =	sbarrier.arrive $0xFFFF  }
0xd9: {  	_ =	strace $0x90000047  }
0xda: {  	s0 =	stileid.u32;
	[bflag:$0x2] =	sbarrier.arrive $0xFFFF  }
0xdb: {  	p0 =	sne.s32 s0, $0x0;
	s0 =	rddreg [dreg:$0x3]  }
0xdc: {  	s0 =	sadd.s32 @!p0 $0x100000, s0  }
0xdd: {  	[sflag:s0] =	ssyncadd.tile.s32 @!p0 $0x1;
	_ =	shalt  }
.Lfunc_end2:
_tile_overlayer_lowered:
.L_overlay_start_2:
0xde: {  	(tag) =	ssettag $0x2  }
0xdf: {  	s0 =	rddreg [dreg:$0x0];
	s2 =	stileid.u32  }
0xe0: {  	s1 =	rddreg [dreg:$0x1];
	p0 =	sne.s32 s2, $0x0  }
0xe1: {  	s3 =	rddreg [dreg:$0x2];
	[bflag:$0x3] =	sbarrier.arrive $0xFFFF;
	s2 =	simm.s32 @!p0 $0x1C02  }
0xe2: {  	[timem:s3], [sflag:s2] =	dma.local @!p0 [hbm:s0], s1  }
0xe3: {  	s0 =	simm.s32 @!p0 $0x2  }
0xe4: {  	_ =	swait.ge @!p0 [sflag:s0], s1  }
0xe5: {  	s1 =	ssub.s32 @!p0 $0x0, s1;
	[sflag:s0] =	ssyncset.done @!p0 $0x0  }
0xe6: {  	[sflag:s0] =	ssyncadd.s32 @!p0 s1  }
0xe7: {  	[bflag:$0x3] =	sbarrier.arrive $0xFFFF  }
0xe8: {  	_ =	shalt  }

</sc_bundles>
